<compile_context>
chip_gen: v7x
topology: tpu7x:2x2x1
jax: 0.10.2.dev20260603
libtpu: 0.0.44.dev20260713+nightly
codegen_flags: <defaults>
</compile_context>

<pallas_src>
import functools

import jax
import jax.numpy as jnp
from jax import lax
from jax.experimental import pallas as pl
from jax.experimental.pallas import tpu as pltpu
from jax.experimental.pallas import tpu_sc as plsc

B, L, D = 4, 512, 512
G, V = 2, 320
DG = D // G
CVS = 768
TAU = 2.0
N = B * L
TR = 512
NT = N // TR
TPB = L // TR


def _stage1_body(len_ref, hs_ref, gum_ref, w_ref, b_ref, idx_ref, avg_ref, perp_ref):
    pid = pl.program_id(0)
    x = hs_ref[...]
    w = w_ref[...]
    logits = lax.dot_general(
        x, w, (((1,), (1,)), ((), ())),
        preferred_element_type=jnp.float32,
        precision=lax.Precision.DEFAULT,
    ) + b_ref[...]

    b_idx = pid // TPB
    len_b = len_ref[b_idx]
    row0 = (pid % TPB) * TR
    rows = lax.broadcasted_iota(jnp.int32, (TR, 1), 0) + row0
    mask = (rows < len_b).astype(jnp.float32)

    idx_cols = []
    parts = []
    for g in range(G):
        lg = logits[:, g * V:(g + 1) * V]
        zg = lg + gum_ref[:, g * V:(g + 1) * V]
        zmax = jnp.max(zg, axis=1, keepdims=True)
        iota = lax.broadcasted_iota(jnp.int32, (TR, V), 1)
        idxg = jnp.min(jnp.where(zg >= zmax, iota, V), axis=1) + g * V
        idx_cols.append(idxg)
        lmax = jnp.max(lg, axis=1, keepdims=True)
        e = jnp.exp(lg - lmax)
        sm = e / jnp.sum(e, axis=1, keepdims=True)
        parts.append(jnp.sum(sm * mask, axis=0))

    idx_ref[...] = jnp.stack(idx_cols, axis=1)
    part = jnp.stack(parts, axis=0)

    @pl.when(pid == 0)
    def _():
        avg_ref[...] = part

    @pl.when(pid > 0)
    def _():
        avg_ref[...] += part

    @pl.when(pid == NT - 1)
    def _():
        total = len_ref[0] + len_ref[1] + len_ref[2] + len_ref[3]
        denom = jnp.maximum(total, 1).astype(jnp.float32)
        avg = avg_ref[...] / denom
        avg_ref[...] = avg
        ent = -jnp.sum(avg * jnp.log(avg + 1e-07), keepdims=True) / G
        perp_ref[...] = jnp.exp(ent)


def _stage1_call(lengths, hs2, gum2, w_logits, b_logits_row):
    return pl.pallas_call(
        _stage1_body,
        grid=(NT,),
        in_specs=[
            pl.BlockSpec(memory_space=pltpu.SMEM),
            pl.BlockSpec((TR, D), lambda i: (i, 0)),
            pl.BlockSpec((TR, G * V), lambda i: (i, 0)),
            pl.BlockSpec((G * V, D), lambda i: (0, 0)),
            pl.BlockSpec((1, G * V), lambda i: (0, 0)),
        ],
        out_specs=[
            pl.BlockSpec((TR, G), lambda i: (i, 0)),
            pl.BlockSpec((G, V), lambda i: (0, 0)),
            pl.BlockSpec((1, 1), lambda i: (0, 0)),
        ],
        out_shape=[
            jax.ShapeDtypeStruct((N, G), jnp.int32),
            jax.ShapeDtypeStruct((G, V), jnp.float32),
            jax.ShapeDtypeStruct((1, 1), jnp.float32),
        ],
        compiler_params=pltpu.CompilerParams(
            dimension_semantics=("arbitrary",),
        ),
    )(lengths, hs2, gum2, w_logits, b_logits_row)


def _stage2_body(cv_ref, w_ref, b_ref, out_ref):
    out_ref[...] = lax.dot_general(
        cv_ref[...], w_ref[...], (((1,), (1,)), ((), ())),
        preferred_element_type=jnp.float32,
        precision=lax.Precision.DEFAULT,
    ) + b_ref[...]


def _stage2_call(cv2, w_cv, b_cv_row):
    return pl.pallas_call(
        _stage2_body,
        grid=(NT,),
        in_specs=[
            pl.BlockSpec((TR, D), lambda i: (i, 0)),
            pl.BlockSpec((CVS, D), lambda i: (0, 0)),
            pl.BlockSpec((1, CVS), lambda i: (0, 0)),
        ],
        out_specs=pl.BlockSpec((TR, CVS), lambda i: (i, 0)),
        out_shape=jax.ShapeDtypeStruct((N, CVS), jnp.float32),
    )(cv2, w_cv, b_cv_row)


@functools.lru_cache(maxsize=1)
def _sc_gather_kernel():
    info = plsc.get_sparse_core_info()
    nw = info.num_cores * info.num_subcores
    rows_total = N * G
    rpw = rows_total // nw
    mesh = plsc.VectorSubcoreMesh(core_axis_name="c", subcore_axis_name="s")

    @functools.partial(
        pl.kernel,
        mesh=mesh,
        out_type=jax.ShapeDtypeStruct((rows_total, DG), jnp.float32),
        scratch_types=[
            pltpu.VMEM((rpw,), jnp.int32),
            pltpu.VMEM((rpw, DG), jnp.float32),
            pltpu.SemaphoreType.DMA,
        ],
    )
    def gather_k(table_hbm, idx_hbm, out_hbm, idx_v, rows_v, sem):
        wid = lax.axis_index("s") * info.num_cores + lax.axis_index("c")
        base = wid * rpw
        pltpu.sync_copy(idx_hbm.at[pl.ds(base, rpw)], idx_v)
        pltpu.async_copy(table_hbm.at[idx_v], rows_v, sem).wait()
        pltpu.sync_copy(rows_v, out_hbm.at[pl.ds(base, rpw)])

    return gather_k


def kernel(hidden_states, lengths, W_logits, b_logits, codebook, W_cv, b_cv, gumbels):
    hs2 = hidden_states.reshape(N, D)
    gum2 = gumbels.reshape(N, G * V)
    idx2, avg_probs, perp = _stage1_call(
        lengths.astype(jnp.int32), hs2, gum2, W_logits,
        b_logits.reshape(1, G * V))
    table = codebook[0].reshape(G * V, DG)
    flat_idx = idx2.reshape(N * G)
    cv = _sc_gather_kernel()(table, flat_idx)
    proj = _stage2_call(cv.reshape(N, D), W_cv, b_cv.reshape(1, CVS))
    return proj.reshape(B, L, CVS), avg_probs, perp.reshape(())

# --- scband reference (transcript-rebuilt; emitter-appended) ---
"""Pipeline reference for scband-gumbel-vector-quantizer-60086592471795 (READ-ONLY COPY).

The authoritative reference and input builder live on the scoring server;
editing this copy changes nothing except your own understanding.
"""

import jax, jax.numpy as jnp
import numpy as np

B, L, D = 4, 512, 512
G, V = 2, 320
CVS = 768
TAU = 2.0


def setup_inputs(seed: int = 0) -> dict:
    key = jax.random.key(seed)
    ks = jax.random.split(key, 8)
    hidden_states = jax.random.normal(ks[0], (B, L, D), dtype=jnp.float32)
    lengths = jax.random.randint(ks[1], (B,), 0, 512)
    W_logits = jax.random.normal(ks[2], (G * V, D), dtype=jnp.float32) * (1.0 / np.sqrt(D))
    b_logits = jnp.zeros((G * V,), dtype=jnp.float32)
    codebook = jax.random.uniform(ks[3], (1, G, V, D // G), minval=-1.0 / D, maxval=1.0 / D, dtype=jnp.float32)
    W_cv = jax.random.normal(ks[4], (CVS, D), dtype=jnp.float32) * (1.0 / np.sqrt(D))
    b_cv = jnp.zeros((CVS,), dtype=jnp.float32)
    u = jax.random.uniform(ks[5], (B, L, G, V), minval=1e-6, maxval=1.0 - 1e-6, dtype=jnp.float32)
    gumbels = -jnp.log(-jnp.log(u))
    return {
        "hidden_states": hidden_states,
        "lengths": lengths,
        "W_logits": W_logits,
        "b_logits": b_logits,
        "codebook": codebook,
        "W_cv": W_cv,
        "b_cv": b_cv,
        "gumbels": gumbels,
    }


def reference(hidden_states, lengths, W_logits, b_logits, codebook, W_cv, b_cv, gumbels):
    Bb, Ll, Dd = hidden_states.shape
    Gg, Vv, dg = codebook.shape[1], codebook.shape[2], codebook.shape[3]
    # logits projection
    logits = hidden_states @ W_logits.T + b_logits
    logits = logits.reshape(Bb, Ll, Gg, Vv)
    # gumbel-softmax, hard=True with straight-through estimator
    y_soft = jax.nn.softmax((logits + gumbels) / TAU, axis=-1)
    idx = jnp.argmax(y_soft, axis=-1)
    y_hard = jax.nn.one_hot(idx, Vv, dtype=y_soft.dtype)
    gumbel_out = y_hard - jax.lax.stop_gradient(y_soft) + y_soft
    # soft probs + avg over valid frames
    soft_probs = jax.nn.softmax(logits, axis=-1)
    mask = (jnp.arange(Ll)[None, :] < lengths[:, None]).astype(soft_probs.dtype)
    denom = jnp.maximum(mask.sum(), 1.0)
    avg_probs = (soft_probs * mask[:, :, None, None]).sum(axis=(0, 1)) / denom
    entropy = -(avg_probs * jnp.log(avg_probs + 1e-07)).sum(axis=-1).mean()
    perplexity = jnp.exp(entropy)
    # code vectors: (gumbel_out[..., None] * codebook).sum(-2) == einsum over V
    code_vectors = jnp.einsum('blgv,gvd->blgd', gumbel_out, codebook[0])
    code_vectors = code_vectors.reshape(Bb, Ll, Gg * dg)
    projected = code_vectors @ W_cv.T + b_cv
    return projected, avg_probs, perplexity

if __name__ == "__main__":
    import jax
    _d = setup_inputs()
    print(jax.jit(kernel)(*tuple(_d.values())))

</pallas_src>

<mosaic_0001>
#map = affine_map<(d0, d1) -> (0, 0)>
#map1 = affine_map<(d0, d1) -> (0)>
module attributes {stable_mosaic.version = 14 : i64} {
  func.func @gather_k(%arg0: i32, %arg1: i32, %arg2: memref<640x256xf32, #tpu.memory_space<hbm>>, %arg3: memref<4096xi32, #tpu.memory_space<hbm>>, %arg4: memref<4096x256xf32, #tpu.memory_space<hbm>>, %arg5: memref<128xi32, #tpu.memory_space<vmem>>, %arg6: memref<128x256xf32, #tpu.memory_space<vmem>>, %arg7: memref<!tpu.dma_semaphore, #tpu.memory_space<semaphore_mem>>) attributes {dimension_semantics = [#tpu.dimension_semantics<core_parallel>, #tpu.dimension_semantics<subcore_parallel>], iteration_bounds = array<i64: 2, 16>, scalar_prefetch = 0 : i64, scratch_operands = 3 : i64, tpu.core_type = #tpu.core_type<sc_vector_subcore>, window_params = [{transform_indices = #map}, {transform_indices = #map1}, {transform_indices = #map}]} {
    %mul3A = arith.constant 2 : i32
    %mul3A_0 = arith.muli %arg1, %mul3A : i32
    %add3A = arith.addi %mul3A_0, %arg0 : i32
    %mul3A_1 = arith.constant 128 : i32
    %mul3A_2 = arith.muli %add3A, %mul3A_1 : i32
    "tpu.region"() ({
      %run_scoped3A = tpu.sem_alloc : memref<!tpu.dma_semaphore, #tpu.memory_space<semaphore_mem>>
      %dma_start3A_7 = tpu.memref_slice %arg3[%mul3A_2] : memref<4096xi32, #tpu.memory_space<hbm>> -> memref<128xi32, #tpu.memory_space<hbm>>
      %dma_start3A_8 = tpu.memref_slice %arg3[%mul3A_2] : memref<4096xi32, #tpu.memory_space<hbm>> -> memref<128xi32, #tpu.memory_space<hbm>>
      tpu.enqueue_dma source(%dma_start3A_8 : memref<128xi32, #tpu.memory_space<hbm>>) target(%arg5 : memref<128xi32, #tpu.memory_space<vmem>>) target_semaphore(%run_scoped3A : memref<!tpu.dma_semaphore, #tpu.memory_space<semaphore_mem>>)
      %dma_wait3A_9 = tpu.memref_slice %arg3[%mul3A_2] : memref<4096xi32, #tpu.memory_space<hbm>> -> memref<128xi32, #tpu.memory_space<hbm>>
      %dma_wait3A_10 = tpu.memref_slice %arg3[%mul3A_2] : memref<4096xi32, #tpu.memory_space<hbm>> -> memref<128xi32, #tpu.memory_space<hbm>>
      tpu.wait_dma2 semaphore(%run_scoped3A : memref<!tpu.dma_semaphore, #tpu.memory_space<semaphore_mem>>) src(%dma_wait3A_10 : memref<128xi32, #tpu.memory_space<hbm>>) dst(%arg5 : memref<128xi32, #tpu.memory_space<vmem>>)
      tpu.yield
    }) : () -> ()
    %dma_start3A = arith.constant 0 : i32
    %dma_start3A_3 = arith.constant 0 : i32
    %dma_start3A_4 = tpu.memref_slice %arg2[%dma_start3A, %dma_start3A_3] : memref<640x256xf32, #tpu.memory_space<hbm>> -> memref<640x256xf32, #tpu.memory_space<hbm>>
    tpu.enqueue_indirect_dma source(%dma_start3A_4 : memref<640x256xf32, #tpu.memory_space<hbm>>) target(%arg6 : memref<128x256xf32, #tpu.memory_space<vmem>>) offsets(%arg5 : memref<128xi32, #tpu.memory_space<vmem>>) semaphore(%arg7 : memref<!tpu.dma_semaphore, #tpu.memory_space<semaphore_mem>>)
    %dma_wait3A = arith.constant 0 : i32
    %dma_wait3A_5 = arith.constant 0 : i32
    %dma_wait3A_6 = tpu.memref_slice %arg2[%dma_wait3A, %dma_wait3A_5] : memref<640x256xf32, #tpu.memory_space<hbm>> -> memref<640x256xf32, #tpu.memory_space<hbm>>
    tpu.wait_indirect_dma semaphore(%arg7 : memref<!tpu.dma_semaphore, #tpu.memory_space<semaphore_mem>>) src(%dma_wait3A_6 : memref<640x256xf32, #tpu.memory_space<hbm>>) dst(%arg6 : memref<128x256xf32, #tpu.memory_space<vmem>>)
    "tpu.region"() ({
      %run_scoped3A = tpu.sem_alloc : memref<!tpu.dma_semaphore, #tpu.memory_space<semaphore_mem>>
      %dma_start3A_7 = arith.constant 0 : i32
      %dma_start3A_8 = tpu.memref_slice %arg4[%mul3A_2, %dma_start3A_7] : memref<4096x256xf32, #tpu.memory_space<hbm>> -> memref<128x256xf32, #tpu.memory_space<hbm>>
      %dma_start3A_9 = arith.constant 0 : i32
      %dma_start3A_10 = tpu.memref_slice %arg4[%mul3A_2, %dma_start3A_9] : memref<4096x256xf32, #tpu.memory_space<hbm>> -> memref<128x256xf32, #tpu.memory_space<hbm>>
      tpu.enqueue_dma source(%arg6 : memref<128x256xf32, #tpu.memory_space<vmem>>) target(%dma_start3A_10 : memref<128x256xf32, #tpu.memory_space<hbm>>) target_semaphore(%run_scoped3A : memref<!tpu.dma_semaphore, #tpu.memory_space<semaphore_mem>>)
      %dma_wait3A_11 = arith.constant 0 : i32
      %dma_wait3A_12 = tpu.memref_slice %arg4[%mul3A_2, %dma_wait3A_11] : memref<4096x256xf32, #tpu.memory_space<hbm>> -> memref<128x256xf32, #tpu.memory_space<hbm>>
      %dma_wait3A_13 = arith.constant 0 : i32
      %dma_wait3A_14 = tpu.memref_slice %arg4[%mul3A_2, %dma_wait3A_13] : memref<4096x256xf32, #tpu.memory_space<hbm>> -> memref<128x256xf32, #tpu.memory_space<hbm>>
      tpu.wait_dma2 semaphore(%run_scoped3A : memref<!tpu.dma_semaphore, #tpu.memory_space<semaphore_mem>>) src(%arg6 : memref<128x256xf32, #tpu.memory_space<vmem>>) dst(%dma_wait3A_14 : memref<128x256xf32, #tpu.memory_space<hbm>>)
      tpu.yield
    }) : () -> ()
    return
  }
}

module attributes {stable_mosaic.version = 14 : i64} {
  func.func @_stage1_body(%arg0: i32, %arg1: memref<4xi32, #tpu.memory_space<smem>>, %arg2: memref<512x512xf32, #tpu.memory_space<vmem>>, %arg3: memref<512x640xf32, #tpu.memory_space<vmem>>, %arg4: memref<640x512xf32, #tpu.memory_space<vmem>>, %arg5: memref<1x640xf32, #tpu.memory_space<vmem>>, %arg6: memref<512x2xi32, #tpu.memory_space<vmem>>, %arg7: memref<2x320xf32, #tpu.memory_space<vmem>>, %arg8: memref<1x1xf32, #tpu.memory_space<vmem>>) attributes {dimension_semantics = [#tpu.dimension_semantics<arbitrary>], iteration_bounds = array<i64: 4>, scalar_prefetch = 0 : i64, scratch_operands = 0 : i64, tpu.core_type = #tpu.core_type<tc>, window_params = [{transform_indices = @transform_0, window_bounds = array<i64: 4>}, {transform_indices = @transform_1, window_bounds = array<i64: 512, 512>}, {transform_indices = @transform_2, window_bounds = array<i64: 512, 640>}, {pipeline_mode = #tpu.pipeline_mode<synchronous>, transform_indices = @transform_3, window_bounds = array<i64: 640, 512>}, {pipeline_mode = #tpu.pipeline_mode<synchronous>, transform_indices = @transform_4, window_bounds = array<i64: 1, 640>}, {transform_indices = @transform_5, window_bounds = array<i64: 512, 2>}, {pipeline_mode = #tpu.pipeline_mode<synchronous>, transform_indices = @transform_6, window_bounds = array<i64: 2, 320>}, {pipeline_mode = #tpu.pipeline_mode<synchronous>, transform_indices = @transform_7, window_bounds = array<i64: 1, 1>}]} {
    %get3A = arith.constant 0 : index
    %get3A_0 = arith.constant 0 : index
    %get3A_1 = vector.load %arg2[%get3A, %get3A_0] : memref<512x512xf32, #tpu.memory_space<vmem>>, vector<512x512xf32>
    %get3A_2 = arith.constant 0 : index
    %get3A_3 = arith.constant 0 : index
    %get3A_4 = vector.load %arg4[%get3A_2, %get3A_3] : memref<640x512xf32, #tpu.memory_space<vmem>>, vector<640x512xf32>
    %dot_general3A = arith.constant dense<0.000000e+00> : vector<512x640xf32>
    %dot_general3A_5 = tpu.matmul %get3A_1, %get3A_4, %dot_general3A {dimension_numbers = #tpu.dot_dimension_numbers<[1], [1], [0], [0], [0, 0, 1, 0], [], []>, transpose_lhs_hint = false} : vector<512x512xf32>, vector<640x512xf32>, vector<512x640xf32> -> vector<512x640xf32>
    %get3A_6 = arith.constant 0 : index
    %get3A_7 = arith.constant 0 : index
    %get3A_8 = vector.load %arg5[%get3A_6, %get3A_7] : memref<1x640xf32, #tpu.memory_space<vmem>>, vector<1x640xf32>
    %add3A = vector.broadcast %get3A_8 : vector<1x640xf32> to vector<512x640xf32>
    %add3A_9 = arith.addf %dot_general3A_5, %add3A : vector<512x640xf32>
    %jit3A = arith.constant 1 : i32
    %div3A = arith.divsi %arg0, %jit3A : i32
    %sign3A = arith.constant 0 : i32
    %sign3A_10 = arith.cmpi sgt, %arg0, %sign3A : i32
    %sign3A_11 = arith.extui %sign3A_10 : i1 to i32
    %sign3A_12 = arith.constant 0 : i32
    %sign3A_13 = arith.cmpi slt, %arg0, %sign3A_12 : i32
    %sign3A_14 = arith.extui %sign3A_13 : i1 to i32
    %sign3A_15 = arith.subi %sign3A_11, %sign3A_14 : i32
    %sign3A_16 = arith.constant 0 : i32
    %sign3A_17 = arith.cmpi sgt, %jit3A, %sign3A_16 : i32
    %sign3A_18 = arith.extui %sign3A_17 : i1 to i32
    %sign3A_19 = arith.constant 0 : i32
    %sign3A_20 = arith.cmpi slt, %jit3A, %sign3A_19 : i32
    %sign3A_21 = arith.extui %sign3A_20 : i1 to i32
    %sign3A_22 = arith.subi %sign3A_18, %sign3A_21 : i32
    %ne3A = arith.cmpi ne, %sign3A_15, %sign3A_22 : i32
    %rem3A = arith.remsi %arg0, %jit3A : i32
    %ne3A_23 = arith.constant 0 : i32
    %ne3A_24 = arith.cmpi ne, %rem3A, %ne3A_23 : i32
    %and3A = arith.andi %ne3A, %ne3A_24 : i1
    %sub3A = arith.constant 1 : i32
    %sub3A_25 = arith.subi %div3A, %sub3A : i32
    %select_n3A = arith.select %and3A, %sub3A_25, %div3A : i32
    %get3A_26 = arith.index_cast %select_n3A : i32 to index
    %get3A_27 = memref.load %arg1[%get3A_26] : memref<4xi32, #tpu.memory_space<smem>>
    %jit3A_28 = arith.constant 1 : i32
    %eq3A = arith.constant 0 : i32
    %eq3A_29 = arith.cmpi eq, %jit3A_28, %eq3A : i32
    %jit3A_30 = arith.constant 1 : i32
    %select_n3A_31 = arith.select %eq3A_29, %jit3A_30, %jit3A_28 : i32
    %rem3A_32 = arith.remsi %arg0, %select_n3A_31 : i32
    %ne3A_33 = arith.constant 0 : i32
    %ne3A_34 = arith.cmpi ne, %rem3A_32, %ne3A_33 : i32
    %lt3A = arith.constant 0 : i32
    %lt3A_35 = arith.cmpi slt, %rem3A_32, %lt3A : i32
    %lt3A_36 = arith.constant 0 : i32
    %lt3A_37 = arith.cmpi slt, %select_n3A_31, %lt3A_36 : i32
    %ne3A_38 = arith.xori %lt3A_35, %lt3A_37 : i1
    %and3A_39 = arith.andi %ne3A_38, %ne3A_34 : i1
    %add3A_40 = arith.addi %rem3A_32, %select_n3A_31 : i32
    %select_n3A_41 = arith.select %and3A_39, %add3A_40, %rem3A_32 : i32
    %mul3A = arith.constant 512 : i32
    %mul3A_42 = arith.muli %select_n3A_41, %mul3A : i32
    %iota3A = tpu.iota {dimensions = array<i32: 0>} : vector<512x1xi32>
    %add3A_43 = vector.broadcast %mul3A_42 : i32 to vector<512x1xi32>
    %add3A_44 = arith.addi %iota3A, %add3A_43 : vector<512x1xi32>
    %lt3A_45 = vector.broadcast %get3A_27 : i32 to vector<512x1xi32>
    %lt3A_46 = arith.cmpi slt, %add3A_44, %lt3A_45 : vector<512x1xi32>
    %convert_element_type3A = arith.extui %lt3A_46 : vector<512x1xi1> to vector<512x1xi32>
    %convert_element_type3A_47 = arith.sitofp %convert_element_type3A : vector<512x1xi32> to vector<512x1xf32>
    %slice3A = vector.extract_strided_slice %add3A_9 {offsets = [0, 0], sizes = [512, 320], strides = [1, 1]} : vector<512x640xf32> to vector<512x320xf32>
    %get3A_48 = arith.constant 0 : index
    %get3A_49 = arith.constant 0 : index
    %get3A_50 = vector.load %arg3[%get3A_48, %get3A_49] : memref<512x640xf32, #tpu.memory_space<vmem>>, vector<512x320xf32>
    %add3A_51 = arith.addf %slice3A, %get3A_50 : vector<512x320xf32>
    %reduce_max3A = arith.constant dense<0xFF800000> : vector<512xf32>
    %reduce_max3A_52 = vector.multi_reduction <maximumf>, %add3A_51, %reduce_max3A [1] : vector<512x320xf32> to vector<512xf32>
    %broadcast_in_dim3A = vector.shape_cast %reduce_max3A_52 : vector<512xf32> to vector<512x1xf32>
    %iota3A_53 = tpu.iota {dimensions = array<i32: 1>} : vector<512x320xi32>
    %ge3A = vector.broadcast %broadcast_in_dim3A : vector<512x1xf32> to vector<512x320xf32>
    %ge3A_54 = arith.cmpf oge, %add3A_51, %ge3A : vector<512x320xf32>
    %jit3A_55 = arith.constant 320 : i32
    %broadcast_in_dim3A_56 = vector.broadcast %jit3A_55 : i32 to vector<512x320xi32>
    %select_n3A_57 = arith.select %ge3A_54, %iota3A_53, %broadcast_in_dim3A_56 : vector<512x320xi1>, vector<512x320xi32>
    %reduce_min3A = arith.constant dense<2147483647> : vector<512xi32>
    %reduce_min3A_58 = vector.multi_reduction <minsi>, %select_n3A_57, %reduce_min3A [1] : vector<512x320xi32> to vector<512xi32>
    %add3A_59 = arith.constant 0 : i32
    %add3A_60 = vector.broadcast %add3A_59 : i32 to vector<512xi32>
    %add3A_61 = arith.addi %reduce_min3A_58, %add3A_60 : vector<512xi32>
    %reduce_max3A_62 = arith.constant dense<0xFF800000> : vector<512xf32>
    %reduce_max3A_63 = vector.multi_reduction <maximumf>, %slice3A, %reduce_max3A_62 [1] : vector<512x320xf32> to vector<512xf32>
    %broadcast_in_dim3A_64 = vector.shape_cast %reduce_max3A_63 : vector<512xf32> to vector<512x1xf32>
    %sub3A_65 = vector.broadcast %broadcast_in_dim3A_64 : vector<512x1xf32> to vector<512x320xf32>
    %sub3A_66 = arith.subf %slice3A, %sub3A_65 : vector<512x320xf32>
    %exp3A = math.exp %sub3A_66 : vector<512x320xf32>
    %reduce_sum3A = arith.constant dense<0.000000e+00> : vector<512xf32>
    %reduce_sum3A_67 = vector.multi_reduction <add>, %exp3A, %reduce_sum3A [1] : vector<512x320xf32> to vector<512xf32>
    %broadcast_in_dim3A_68 = vector.shape_cast %reduce_sum3A_67 : vector<512xf32> to vector<512x1xf32>
    %div3A_69 = vector.broadcast %broadcast_in_dim3A_68 : vector<512x1xf32> to vector<512x320xf32>
    %div3A_70 = arith.divf %exp3A, %div3A_69 : vector<512x320xf32>
    %mul3A_71 = vector.broadcast %convert_element_type3A_47 : vector<512x1xf32> to vector<512x320xf32>
    %mul3A_72 = arith.mulf %div3A_70, %mul3A_71 : vector<512x320xf32>
    %reduce_sum3A_73 = arith.constant dense<0.000000e+00> : vector<320xf32>
    %reduce_sum3A_74 = vector.multi_reduction <add>, %mul3A_72, %reduce_sum3A_73 [0] : vector<512x320xf32> to vector<320xf32>
    %slice3A_75 = vector.extract_strided_slice %add3A_9 {offsets = [0, 320], sizes = [512, 320], strides = [1, 1]} : vector<512x640xf32> to vector<512x320xf32>
    %get3A_76 = arith.constant 0 : index
    %get3A_77 = arith.constant 320 : index
    %get3A_78 = vector.load %arg3[%get3A_76, %get3A_77] : memref<512x640xf32, #tpu.memory_space<vmem>>, vector<512x320xf32>
    %add3A_79 = arith.addf %slice3A_75, %get3A_78 : vector<512x320xf32>
    %reduce_max3A_80 = arith.constant dense<0xFF800000> : vector<512xf32>
    %reduce_max3A_81 = vector.multi_reduction <maximumf>, %add3A_79, %reduce_max3A_80 [1] : vector<512x320xf32> to vector<512xf32>
    %broadcast_in_dim3A_82 = vector.shape_cast %reduce_max3A_81 : vector<512xf32> to vector<512x1xf32>
    %iota3A_83 = tpu.iota {dimensions = array<i32: 1>} : vector<512x320xi32>
    %ge3A_84 = vector.broadcast %broadcast_in_dim3A_82 : vector<512x1xf32> to vector<512x320xf32>
    %ge3A_85 = arith.cmpf oge, %add3A_79, %ge3A_84 : vector<512x320xf32>
    %jit3A_86 = arith.constant 320 : i32
    %broadcast_in_dim3A_87 = vector.broadcast %jit3A_86 : i32 to vector<512x320xi32>
    %select_n3A_88 = arith.select %ge3A_85, %iota3A_83, %broadcast_in_dim3A_87 : vector<512x320xi1>, vector<512x320xi32>
    %reduce_min3A_89 = arith.constant dense<2147483647> : vector<512xi32>
    %reduce_min3A_90 = vector.multi_reduction <minsi>, %select_n3A_88, %reduce_min3A_89 [1] : vector<512x320xi32> to vector<512xi32>
    %add3A_91 = arith.constant 320 : i32
    %add3A_92 = vector.broadcast %add3A_91 : i32 to vector<512xi32>
    %add3A_93 = arith.addi %reduce_min3A_90, %add3A_92 : vector<512xi32>
    %reduce_max3A_94 = arith.constant dense<0xFF800000> : vector<512xf32>
    %reduce_max3A_95 = vector.multi_reduction <maximumf>, %slice3A_75, %reduce_max3A_94 [1] : vector<512x320xf32> to vector<512xf32>
    %broadcast_in_dim3A_96 = vector.shape_cast %reduce_max3A_95 : vector<512xf32> to vector<512x1xf32>
    %sub3A_97 = vector.broadcast %broadcast_in_dim3A_96 : vector<512x1xf32> to vector<512x320xf32>
    %sub3A_98 = arith.subf %slice3A_75, %sub3A_97 : vector<512x320xf32>
    %exp3A_99 = math.exp %sub3A_98 : vector<512x320xf32>
    %reduce_sum3A_100 = arith.constant dense<0.000000e+00> : vector<512xf32>
    %reduce_sum3A_101 = vector.multi_reduction <add>, %exp3A_99, %reduce_sum3A_100 [1] : vector<512x320xf32> to vector<512xf32>
    %broadcast_in_dim3A_102 = vector.shape_cast %reduce_sum3A_101 : vector<512xf32> to vector<512x1xf32>
    %div3A_103 = vector.broadcast %broadcast_in_dim3A_102 : vector<512x1xf32> to vector<512x320xf32>
    %div3A_104 = arith.divf %exp3A_99, %div3A_103 : vector<512x320xf32>
    %mul3A_105 = vector.broadcast %convert_element_type3A_47 : vector<512x1xf32> to vector<512x320xf32>
    %mul3A_106 = arith.mulf %div3A_104, %mul3A_105 : vector<512x320xf32>
    %reduce_sum3A_107 = arith.constant dense<0.000000e+00> : vector<320xf32>
    %reduce_sum3A_108 = vector.multi_reduction <add>, %mul3A_106, %reduce_sum3A_107 [0] : vector<512x320xf32> to vector<320xf32>
    %stack3A = vector.shape_cast %add3A_61 : vector<512xi32> to vector<512x1xi32>
    %stack3A_109 = vector.shape_cast %add3A_93 : vector<512xi32> to vector<512x1xi32>
    %stack3A_110 = tpu.concatenate %stack3A, %stack3A_109 in 1 : vector<512x1xi32>, vector<512x1xi32> -> vector<512x2xi32>
    %swap3A = arith.constant 0 : index
    %swap3A_111 = arith.constant 0 : index
    %swap3A_112 = vector.load %arg6[%swap3A, %swap3A_111] : memref<512x2xi32, #tpu.memory_space<vmem>>, vector<512x2xi32>
    tpu.vector_store %arg6[%swap3A, %swap3A_111], %stack3A_110 {strides = array<i32>} : memref<512x2xi32, #tpu.memory_space<vmem>>, vector<512x2xi32>,
    %stack3A_113 = vector.shape_cast %reduce_sum3A_74 : vector<320xf32> to vector<1x320xf32>
    %stack3A_114 = vector.shape_cast %reduce_sum3A_108 : vector<320xf32> to vector<1x320xf32>
    %stack3A_115 = tpu.concatenate %stack3A_113, %stack3A_114 in 0 : vector<1x320xf32>, vector<1x320xf32> -> vector<2x320xf32>
    %eq3A_116 = arith.constant 0 : i32
    %eq3A_117 = arith.cmpi eq, %arg0, %eq3A_116 : i32
    %convert_element_type3A_118 = arith.extui %eq3A_117 : i1 to i32
    %cond3A = arith.constant 0 : i32
    %cond3A_119 = arith.cmpi ne, %convert_element_type3A_118, %cond3A : i32
    scf.if %cond3A_119 {
      %swap3A_129 = arith.constant 0 : index
      %swap3A_130 = arith.constant 0 : index
      %swap3A_131 = vector.load %arg7[%swap3A_129, %swap3A_130] : memref<2x320xf32, #tpu.memory_space<vmem>>, vector<2x320xf32>
      tpu.vector_store %arg7[%swap3A_129, %swap3A_130], %stack3A_115 {strides = array<i32>} : memref<2x320xf32, #tpu.memory_space<vmem>>, vector<2x320xf32>,
    } else {
    }
    %gt3A = arith.constant 0 : i32
    %gt3A_120 = arith.cmpi sgt, %arg0, %gt3A : i32
    %convert_element_type3A_121 = arith.extui %gt3A_120 : i1 to i32
    %cond3A_122 = arith.constant 0 : i32
    %cond3A_123 = arith.cmpi ne, %convert_element_type3A_121, %cond3A_122 : i32
    scf.if %cond3A_123 {
      %get3A_129 = arith.constant 0 : index
      %get3A_130 = arith.constant 0 : index
      %get3A_131 = vector.load %arg7[%get3A_129, %get3A_130] : memref<2x320xf32, #tpu.memory_space<vmem>>, vector<2x320xf32>
      %add3A_132 = arith.addf %get3A_131, %stack3A_115 : vector<2x320xf32>
      %swap3A_133 = arith.constant 0 : index
      %swap3A_134 = arith.constant 0 : index
      %swap3A_135 = vector.load %arg7[%swap3A_133, %swap3A_134] : memref<2x320xf32, #tpu.memory_space<vmem>>, vector<2x320xf32>
      tpu.vector_store %arg7[%swap3A_133, %swap3A_134], %add3A_132 {strides = array<i32>} : memref<2x320xf32, #tpu.memory_space<vmem>>, vector<2x320xf32>,
    } else {
    }
    %eq3A_124 = arith.constant 3 : i32
    %eq3A_125 = arith.cmpi eq, %arg0, %eq3A_124 : i32
    %convert_element_type3A_126 = arith.extui %eq3A_125 : i1 to i32
    %cond3A_127 = arith.constant 0 : i32
    %cond3A_128 = arith.cmpi ne, %convert_element_type3A_126, %cond3A_127 : i32
    scf.if %cond3A_128 {
      %get3A_129 = arith.constant 0 : index
      %get3A_130 = memref.load %arg1[%get3A_129] : memref<4xi32, #tpu.memory_space<smem>>
      %get3A_131 = arith.constant 1 : index
      %get3A_132 = memref.load %arg1[%get3A_131] : memref<4xi32, #tpu.memory_space<smem>>
      %add3A_133 = arith.addi %get3A_130, %get3A_132 : i32
      %get3A_134 = arith.constant 2 : index
      %get3A_135 = memref.load %arg1[%get3A_134] : memref<4xi32, #tpu.memory_space<smem>>
      %add3A_136 = arith.addi %add3A_133, %get3A_135 : i32
      %get3A_137 = arith.constant 3 : index
      %get3A_138 = memref.load %arg1[%get3A_137] : memref<4xi32, #tpu.memory_space<smem>>
      %add3A_139 = arith.addi %add3A_136, %get3A_138 : i32
      %max3A = arith.constant 1 : i32
      %max3A_140 = arith.maxsi %add3A_139, %max3A : i32
      %convert_element_type3A_141 = arith.sitofp %max3A_140 : i32 to f32
      %get3A_142 = arith.constant 0 : index
      %get3A_143 = arith.constant 0 : index
      %get3A_144 = vector.load %arg7[%get3A_142, %get3A_143] : memref<2x320xf32, #tpu.memory_space<vmem>>, vector<2x320xf32>
      %div3A_145 = vector.broadcast %convert_element_type3A_141 : f32 to vector<2x320xf32>
      %div3A_146 = arith.divf %get3A_144, %div3A_145 : vector<2x320xf32>
      %swap3A_147 = arith.constant 0 : index
      %swap3A_148 = arith.constant 0 : index
      %swap3A_149 = vector.load %arg7[%swap3A_147, %swap3A_148] : memref<2x320xf32, #tpu.memory_space<vmem>>, vector<2x320xf32>
      tpu.vector_store %arg7[%swap3A_147, %swap3A_148], %div3A_146 {strides = array<i32>} : memref<2x320xf32, #tpu.memory_space<vmem>>, vector<2x320xf32>,
      %add3A_150 = arith.constant 1.000000e-07 : f32
      %add3A_151 = vector.broadcast %add3A_150 : f32 to vector<2x320xf32>
      %add3A_152 = arith.addf %div3A_146, %add3A_151 : vector<2x320xf32>
      %log3A = math.log %add3A_152 : vector<2x320xf32>
      %mul3A_153 = arith.mulf %div3A_146, %log3A : vector<2x320xf32>
      %reduce_sum3A_154 = vector.shape_cast %mul3A_153 : vector<2x320xf32> to vector<1x2x320xf32>
      %reduce_sum3A_155 = arith.constant dense<0.000000e+00> : vector<1xf32>
      %reduce_sum3A_156 = vector.multi_reduction <add>, %reduce_sum3A_154, %reduce_sum3A_155 [1, 2] : vector<1x2x320xf32> to vector<1xf32>
      %reduce_sum3A_157 = vector.shape_cast %reduce_sum3A_156 : vector<1xf32> to vector<1x1x1xf32>
      %reduce_sum3A_158 = vector.extract %reduce_sum3A_157[0, 0, 0] : f32 from vector<1x1x1xf32>
      %broadcast_in_dim3A_159 = vector.broadcast %reduce_sum3A_158 : f32 to vector<1x1xf32>
      %neg3A = arith.constant 0.000000e+00 : f32
      %neg3A_160 = vector.broadcast %neg3A : f32 to vector<1x1xf32>
      %neg3A_161 = arith.subf %neg3A_160, %broadcast_in_dim3A_159 : vector<1x1xf32>
      %div3A_162 = arith.constant 2.000000e+00 : f32
      %div3A_163 = vector.broadcast %div3A_162 : f32 to vector<1x1xf32>
      %div3A_164 = arith.divf %neg3A_161, %div3A_163 : vector<1x1xf32>
      %exp3A_165 = math.exp %div3A_164 : vector<1x1xf32>
      %swap3A_166 = arith.constant 0 : index
      %swap3A_167 = arith.constant 0 : index
      %swap3A_168 = vector.load %arg8[%swap3A_166, %swap3A_167] : memref<1x1xf32, #tpu.memory_space<vmem>>, vector<1x1xf32>
      tpu.vector_store %arg8[%swap3A_166, %swap3A_167], %exp3A_165 {strides = array<i32>} : memref<1x1xf32, #tpu.memory_space<vmem>>, vector<1x1xf32>,
    } else {
    }
    return
  }
  func.func @transform_0(%arg0: i32) -> i32 {
    %c0_i32 = arith.constant 0 : i32
    %c0_i32_0 = arith.constant 0 : i32
    return %c0_i32 : i32
  }
  func.func @transform_1(%arg0: i32) -> (i32, i32) {
    %c0_i32 = arith.constant 0 : i32
    %c0_i32_0 = arith.constant 0 : i32
    return %arg0, %c0_i32 : i32, i32
  }
  func.func @transform_2(%arg0: i32) -> (i32, i32) {
    %c0_i32 = arith.constant 0 : i32
    %c0_i32_0 = arith.constant 0 : i32
    return %arg0, %c0_i32 : i32, i32
  }
  func.func @transform_3(%arg0: i32) -> (i32, i32) {
    %c0_i32 = arith.constant 0 : i32
    %c0_i32_0 = arith.constant 0 : i32
    %c0_i32_1 = arith.constant 0 : i32
    return %c0_i32, %c0_i32_0 : i32, i32
  }
  func.func @transform_4(%arg0: i32) -> (i32, i32) {
    %c0_i32 = arith.constant 0 : i32
    %c0_i32_0 = arith.constant 0 : i32
    %c0_i32_1 = arith.constant 0 : i32
    return %c0_i32, %c0_i32_0 : i32, i32
  }
  func.func @transform_5(%arg0: i32) -> (i32, i32) {
    %c0_i32 = arith.constant 0 : i32
    %c0_i32_0 = arith.constant 0 : i32
    return %arg0, %c0_i32 : i32, i32
  }
  func.func @transform_6(%arg0: i32) -> (i32, i32) {
    %c0_i32 = arith.constant 0 : i32
    %c0_i32_0 = arith.constant 0 : i32
    %c0_i32_1 = arith.constant 0 : i32
    return %c0_i32, %c0_i32_0 : i32, i32
  }
  func.func @transform_7(%arg0: i32) -> (i32, i32) {
    %c0_i32 = arith.constant 0 : i32
    %c0_i32_0 = arith.constant 0 : i32
    %c0_i32_1 = arith.constant 0 : i32
    return %c0_i32, %c0_i32_0 : i32, i32
  }
}

module attributes {stable_mosaic.version = 14 : i64} {
  func.func @_stage2_body(%arg0: i32, %arg1: memref<512x512xf32, #tpu.memory_space<vmem>>, %arg2: memref<768x512xf32, #tpu.memory_space<vmem>>, %arg3: memref<1x768xf32, #tpu.memory_space<vmem>>, %arg4: memref<512x768xf32, #tpu.memory_space<vmem>>) attributes {dimension_semantics = [#tpu.dimension_semantics<arbitrary>], iteration_bounds = array<i64: 4>, scalar_prefetch = 0 : i64, scratch_operands = 0 : i64, tpu.core_type = #tpu.core_type<tc>, window_params = [{transform_indices = @transform_0, window_bounds = array<i64: 512, 512>}, {pipeline_mode = #tpu.pipeline_mode<synchronous>, transform_indices = @transform_1, window_bounds = array<i64: 768, 512>}, {pipeline_mode = #tpu.pipeline_mode<synchronous>, transform_indices = @transform_2, window_bounds = array<i64: 1, 768>}, {transform_indices = @transform_3, window_bounds = array<i64: 512, 768>}]} {
    %get3A = arith.constant 0 : index
    %get3A_0 = arith.constant 0 : index
    %get3A_1 = vector.load %arg1[%get3A, %get3A_0] : memref<512x512xf32, #tpu.memory_space<vmem>>, vector<512x512xf32>
    %get3A_2 = arith.constant 0 : index
    %get3A_3 = arith.constant 0 : index
    %get3A_4 = vector.load %arg2[%get3A_2, %get3A_3] : memref<768x512xf32, #tpu.memory_space<vmem>>, vector<768x512xf32>
    %dot_general3A = arith.constant dense<0.000000e+00> : vector<512x768xf32>
    %dot_general3A_5 = tpu.matmul %get3A_1, %get3A_4, %dot_general3A {dimension_numbers = #tpu.dot_dimension_numbers<[1], [1], [0], [0], [0, 0, 1, 0], [], []>, transpose_lhs_hint = false} : vector<512x512xf32>, vector<768x512xf32>, vector<512x768xf32> -> vector<512x768xf32>
    %get3A_6 = arith.constant 0 : index
    %get3A_7 = arith.constant 0 : index
    %get3A_8 = vector.load %arg3[%get3A_6, %get3A_7] : memref<1x768xf32, #tpu.memory_space<vmem>>, vector<1x768xf32>
    %add3A = vector.broadcast %get3A_8 : vector<1x768xf32> to vector<512x768xf32>
    %add3A_9 = arith.addf %dot_general3A_5, %add3A : vector<512x768xf32>
    %swap3A = arith.constant 0 : index
    %swap3A_10 = arith.constant 0 : index
    %swap3A_11 = vector.load %arg4[%swap3A, %swap3A_10] : memref<512x768xf32, #tpu.memory_space<vmem>>, vector<512x768xf32>
    tpu.vector_store %arg4[%swap3A, %swap3A_10], %add3A_9 {strides = array<i32>} : memref<512x768xf32, #tpu.memory_space<vmem>>, vector<512x768xf32>,
    return
  }
  func.func @transform_0(%arg0: i32) -> (i32, i32) {
    %c0_i32 = arith.constant 0 : i32
    %c0_i32_0 = arith.constant 0 : i32
    return %arg0, %c0_i32 : i32, i32
  }
  func.func @transform_1(%arg0: i32) -> (i32, i32) {
    %c0_i32 = arith.constant 0 : i32
    %c0_i32_0 = arith.constant 0 : i32
    %c0_i32_1 = arith.constant 0 : i32
    return %c0_i32, %c0_i32_0 : i32, i32
  }
  func.func @transform_2(%arg0: i32) -> (i32, i32) {
    %c0_i32 = arith.constant 0 : i32
    %c0_i32_0 = arith.constant 0 : i32
    %c0_i32_1 = arith.constant 0 : i32
    return %c0_i32, %c0_i32_0 : i32, i32
  }
  func.func @transform_3(%arg0: i32) -> (i32, i32) {
    %c0_i32 = arith.constant 0 : i32
    %c0_i32_0 = arith.constant 0 : i32
    return %arg0, %c0_i32 : i32, i32
  }
}

</mosaic_0001>

<sc_bundles>
// kernel: kernel.5.cloned.1.call-start
scs
__scs_entry_jumppad:
0x0: {  	(pc) =	sbr.rel $0x88, $3  }
0x1: {  	(tag) =	ssettag $0x0;
	lr =	simm.s32 $0x1  }
0x2: {  	[smem:$0x3F99] =	sst lr;
	_ =	strace $0xD0000000  }
0x3: {  	_ = 	snop  }
0x4: {  	_ = 	snop  }
0x5: {  	_ = 	snop  }
0x6: {  	_ = 	snop  }
0x7: {  	_ = 	snop  }
__scs_overlays_trampoline_lowered:
0x8: {  	[smem:$0x3FA8] =	sst s0  }
0x9: {  	[smem:$0x3FA9] =	sst s1  }
0xa: {  	[smem:$0x3FAA] =	sst s2  }
0xb: {  	[smem:$0x3FAB] =	sst s3  }
0xc: {  	[smem:$0x3FAC] =	sst s4  }
0xd: {  	[smem:$0x3FAD] =	sst s5  }
0xe: {  	[smem:$0x3FAE] =	sst s6  }
0xf: {  	[smem:$0x3FAF] =	sst s7  }
0x10: {  	[smem:$0x3FB0] =	sst s8  }
0x11: {  	[smem:$0x3FB1] =	sst s9;
	s0 =	simm.s32 @!p0 $0x0  }
0x12: {  	s1 =	sld [smem:$0x3F97];
	s0 =	simm.s32 @p0 $0x1  }
0x13: {  	[smem:$0x3FB2] =	sst s0;
	s0 =	simm.s32 @!p1 $0x0  }
0x14: {  	s2 =	sld [smem:$0x3F96];
	s0 =	simm.s32 @p1 $0x1  }
0x15: {  	[smem:$0x3FB3] =	sst s0;
	s0 =	simm.s32 @!p2 $0x0  }
0x16: {  	s3 =	sld [smem:$0x3FDB];
	s0 =	simm.s32 @p2 $0x1  }
0x17: {  	s4 =	simm.s32 $0x1BF5;
	[smem:$0x3FB5] =	sst s0  }
0x18: {  	s0 =	sld [smem:$0x3F98];
	_ =	swait.ge [sflag:s4], $0x0  }
0x19: {  	s7 =	sld [smem:$0x3F99]  }
0x1a: {  	s8 =	sadd.s32 $0xFFFFE003, lr  }
0x1b: {  	s9 =	sadd.s32 $0xFFFFFEF7, lr;
	s5 =	simm.s32 $0xFFFFFFFF;
	p2 =	slt.u32 s8, $0xFFFFF086  }
0x1c: {  	p1 =	slt.u32 s9, $0xF7A;
	s5 =	simm.s32 @!p2 $0x0  }
0x1d: {  	s5 =	simm.s32 @p1 $0x1;
	p0 =	seq.s32 s7, s2  }
0x1e: {  	s7 =	smul.u32 @!p0 $0xF7A, s2;
	p2 =	seq.s32 @!p0 s5, $0x0  }
0x1f: {  	s9 =	smul.u32 $0xF7A, s1;
	s8 =	simm.s32 @!p0 $0x1BF5;
	p2 =	por !p2, p0  }
0x20: {  	[sflag:s8] =	ssyncset.s32 @!p0 $0xFFFFF086;
	s6 =	sadd.s32 @!p0 s3, s7;
	s7 =	simm.s32 @!p0 $0x108  }
0x21: {  	s3 =	sadd.s32 s3, s9;
	s6 =	sadd.s32 @!p0 $0x88, s6;
	s7 =	simm.s32 @p2 $0x1082  }
0x22: {  	[simem:s7], [sflag:s8] =	dma.local @!p0 [hbm:s6], $0xF7A  }
0x23: {  	s9 =	sor.u32 $0xD0000000, s2;
	s6 =	simm.s32 $0x108;
	_ =	swait.ge @!p0 [sflag:s8], $0x0  }
0x24: {  	s3 =	sadd.s32 $0x88, s3;
	s6 =	simm.s32 @!p1 $0x1082;
	[sflag:s4] =	ssyncset.s32 $0xFFFFF086  }
0x25: {  	[simem:s6], [sflag:s4] =	dma.local [hbm:s3], $0xF7A  }
0x26: {  	[smem:$0x3F99] =	sst s1;
	(tag) =	ssettag s2;
	_ =	strace s9  }
0x27: {  	s1 =	sld [smem:$0x3FA9]  }
0x28: {  	s2 =	sld [smem:$0x3FAA]  }
0x29: {  	s4 =	sld [smem:$0x3FAC]  }
0x2a: {  	p0 =	seq.s32 s5, $0x0;
	s5 =	sld [smem:$0x3FAD]  }
0x2b: {  	s6 =	sld [smem:$0x3FAE]  }
0x2c: {  	s7 =	sld [smem:$0x3FAF]  }
0x2d: {  	s3 =	simm.s32 $0x108;
	s8 =	sld [smem:$0x3FB0]  }
0x2e: {  	s3 =	simm.s32 @!p0 $0x1082;
	s9 =	sld [smem:$0x3FB1]  }
0x2f: {  	lr =	sadd.s32 s0, s3;
	s0 =	sld [smem:$0x3FA8]  }
0x30: {  	s3 =	sld [smem:$0x3FAB]  }
0x31: {  	[smem:$0x3FB4] =	sst s10  }
0x32: {  	s10 =	sld [smem:$0x3FB2];
	_ =	sdelay $0x3  }
0x33: {  	p0 =	seq.s32 s10, $0x1;
	s10 =	sld [smem:$0x3FB4];
	_ =	sdelay $0x3  }
0x34: {  	[smem:$0x3FB4] =	sst s10  }
0x35: {  	s10 =	sld [smem:$0x3FB3];
	_ =	sdelay $0x3  }
0x36: {  	p1 =	seq.s32 s10, $0x1;
	s10 =	sld [smem:$0x3FB4];
	_ =	sdelay $0x3  }
0x37: {  	[smem:$0x3FB4] =	sst s10  }
0x38: {  	s10 =	sld [smem:$0x3FB5]  }
0x39: {  	_ = 	snop;
	(pc) =	sbr.ind lr, $3  }
0x3a: {  	_ = 	snop  }
0x3b: {  	_ = 	snop  }
0x3c: {  	p2 =	seq.s32 s10, $0x1;
	s10 =	sld [smem:$0x3FB4]  }
0x3d: {  	_ =	shalt  }
0x3e: {  	_ =	shalt  }
0x3f: {  	_ =	shalt  }
0x40: {  	_ =	shalt  }
0x41: {  	_ =	shalt  }
0x42: {  	_ =	shalt  }
0x43: {  	_ =	shalt  }
0x44: {  	_ =	shalt  }
0x45: {  	_ =	shalt  }
0x46: {  	_ =	shalt  }
0x47: {  	_ =	shalt  }
0x48: {  	_ =	shalt  }
0x49: {  	_ =	shalt  }
0x4a: {  	_ =	shalt  }
0x4b: {  	_ =	shalt  }
0x4c: {  	_ =	shalt  }
0x4d: {  	_ =	shalt  }
0x4e: {  	_ =	shalt  }
0x4f: {  	_ =	shalt  }
0x50: {  	_ =	shalt  }
0x51: {  	_ =	shalt  }
0x52: {  	_ =	shalt  }
0x53: {  	_ =	shalt  }
0x54: {  	_ =	shalt  }
0x55: {  	_ =	shalt  }
0x56: {  	_ =	shalt  }
0x57: {  	_ =	shalt  }
0x58: {  	_ =	shalt  }
0x59: {  	_ =	shalt  }
0x5a: {  	_ =	shalt  }
0x5b: {  	_ =	shalt  }
0x5c: {  	_ =	shalt  }
0x5d: {  	_ =	shalt  }
0x5e: {  	_ =	shalt  }
0x5f: {  	_ =	shalt  }
0x60: {  	_ =	shalt  }
0x61: {  	_ =	shalt  }
0x62: {  	_ =	shalt  }
0x63: {  	_ =	shalt  }
0x64: {  	_ =	shalt  }
0x65: {  	_ =	shalt  }
0x66: {  	_ =	shalt  }
0x67: {  	_ =	shalt  }
0x68: {  	_ =	shalt  }
0x69: {  	_ =	shalt  }
0x6a: {  	_ =	shalt  }
0x6b: {  	_ =	shalt  }
0x6c: {  	_ =	shalt  }
0x6d: {  	_ =	shalt  }
0x6e: {  	_ =	shalt  }
0x6f: {  	_ =	shalt  }
0x70: {  	_ =	shalt  }
0x71: {  	_ =	shalt  }
0x72: {  	_ =	shalt  }
0x73: {  	_ =	shalt  }
0x74: {  	_ =	shalt  }
0x75: {  	_ =	shalt  }
0x76: {  	_ =	shalt  }
0x77: {  	_ =	shalt  }
0x78: {  	_ =	shalt  }
0x79: {  	_ =	shalt  }
0x7a: {  	_ =	shalt  }
0x7b: {  	_ =	shalt  }
0x7c: {  	_ =	shalt  }
0x7d: {  	_ =	shalt  }
0x7e: {  	_ =	shalt  }
0x7f: {  	_ =	shalt  }
0x80: {  	_ =	shalt  }
0x81: {  	_ =	shalt  }
0x82: {  	_ =	shalt  }
0x83: {  	_ =	shalt  }
0x84: {  	_ =	shalt  }
0x85: {  	_ =	shalt  }
0x86: {  	_ =	shalt  }
0x87: {  	_ =	shalt  }
.Lfunc_end0:
.L_simem_size_0:
called_computation_lowered:
.L_overlay_start_0:
0x88: {  	s2 =	sld [smem:$0x3FD9]  }
0x89: {  	s3 =	sld [smem:$0x3FFE];
	_ =	sdelay $0x1  }
0x8a: {  	s1 =	srdreg.scid  }
0x8b: {  	s0 =	sand.u32 $0x1, s1  }
0x8c: {  	s14 =	sshll.u32 s0, $0xA;
	s2 =	sadd.s32 s3, s2  }
0x8d: {  	s2 =	sadd.s32 s2, s14  }
0x8e: {  	[smem:$0x3FC0] =	sst s2  }
0x8f: {  	_ = 	snop  }
0x90: {  	s2 =	sld [smem:$0x3FD0];
	_ =	sdelay $0x2  }
0x91: {  	s4 =	simm.s32 $0xA;
	s5 =	simm.s32 $0x10;
	s15 =	sld [smem:$0x3FC5]  }
0x92: {  	[smem:s5], [sflag:s4] =	dma.local [hbm:s2], $0x1  }
0x93: {  	_ =	swait.eq [sflag:s4], $0x1  }
0x94: {  	[sflag:s4] =	ssyncset.done $0x0  }
0x95: {  	[sflag:s4] =	ssyncadd.s32 $0xFFFFFFFF  }
0x96: {  	s16 =	sld [smem:$0x10];
	(tm) =	ssettm $0x1  }
0x97: {  	s17 =	sld [smem:$0x3FFB];
	_ =	sdelay $0x3  }
0x98: {  	_ =	strace s17  }
0x99: {  	s4 =	sld [smem:$0x3FFC];
	_ =	sdelay $0x3  }
0x9a: {  	_ =	strace s4  }
0x9b: {  	s4 =	sld [smem:$0x3FFD];
	_ =	sdelay $0x3  }
0x9c: {  	_ =	strace s4  }
0x9d: {  	_ =	strace $0x8FFFFFFF  }
0x9e: {  	s18 =	sld [smem:$0x3FDB];
	_ =	sdelay $0x1  }
0x9f: {  	s19 =	simm.s32 $_scs_section_size  }
0xa0: {  	s6 =	simm.s32 $_size__tile_overlayer_lowered;
	s7 =	simm.s32 $_tile_overlayer_lowered  }
0xa1: {  	s22 =	simm.s32 $0x1BFF;
	s21 =	sshll.u32 s7, $0x1;
	s4 =	sadd.s32 s19, s18  }
0xa2: {  	s8 =	simm.s32 $0x0;
	s20 =	sshll.u32 s6, $0x1;
	s6 =	sadd.s32 s21, s4  }
0xa3: {  	[timem:s8], [sflag:s22] =	dma.local [hbm:s6], s20  }
0xa4: {  	_ =	swait.ge [sflag:s22], s20  }
0xa5: {  	s5 =	ssub.s32 $0x0, s20;
	[sflag:s22] =	ssyncset.done $0x0  }
0xa6: {  	[sflag:s22] =	ssyncadd.s32 s5;
	_ =	sdelay $0x1  }
0xa7: {  	s23 =	simm.s32 $0x1B8B  }
0xa8: {  	_ =	swait.ge [sflag:s23], $0x1  }
0xa9: {  	[sflag:s23] =	ssyncset.done $0x0  }
0xaa: {  	s25 =	simm.s32 $0x1B8E;
	s24 =	sld [smem:$0x3FFE];
	[sflag:s23] =	ssyncadd.s32 $0xFFFFFFFF  }
0xab: {  	s26 =	simm.s32 $execute0_lowered;
	[smem:$0x3FD2] =	sst s25  }
0xac: {  	s6 =	sshll.u32 s26, $0x1;
	_ =	strace $0x80000046;
	[dreg:$0x1] =	wrdreg $0xFFFFFFFF  }
0xad: {  	s28 =	simm.s32 $_size_execute0_lowered;
	s4 =	sadd.s32 s4, s6;
	[dreg:$0x0] =	wrdreg $0x0  }
0xae: {  	s6 =	sshll.u32 s28, $0x1;
	[dreg:$0x2] =	wrdreg s4  }
0xaf: {  	[dreg:$0x3] =	wrdreg s6  }
0xb0: {  	[dreg:$0x4] =	wrdreg $0xC0  }
0xb1: {  	_ =	task [dreg:s8], $0x5FFFF  }
0xb2: {  	[dreg:$0x1] =	wrdreg $0xFFFFFFFF  }
0xb3: {  	[dreg:$0x0] =	wrdreg $0x60  }
0xb4: {  	[dreg:$0x2] =	wrdreg s15  }
0xb5: {  	[dreg:$0x3] =	wrdreg s24  }
0xb6: {  	[dreg:$0x4] =	wrdreg s16  }
0xb7: {  	[dreg:$0x5] =	wrdreg $0x9  }
0xb8: {  	_ =	task.clear_ibuf [dreg:s8], $0x6FFFF;
	_ =	strace $0x90000046  }
0xb9: {  	s29 =	simm.s32 $0x9;
	_ =	strace $0x80000048  }
0xba: {  	_ =	swait.ge [sflag:s29], $0x1  }
0xbb: {  	[sflag:s29] =	ssyncadd.s32 $0xFFFFFFFF  }
0xbc: {  	_ =	strace $0x90000048  }
0xbd: {  	_ =	sfence  }
0xbe: {  	s30 =	sld [smem:$0x0];
	_ =	sdelay $0x2  }
0xbf: {  	s31 =	sshll.u32 s1, $0xD;
	s1 =	sshrl.u32 s1, $0x2  }
0xc0: {  	s3 =	sand.u32 $0x4000, s31;
	s1 =	sadd.s32 s1, s30  }
0xc1: {  	s0 =	sor.u32 s3, s0;
	s1 =	sshll.u32 s1, $0x11  }
0xc2: {  	s0 =	sor.u32 s1, s0  }
0xc3: {  	s0 =	sadd.s32 $0x8F2B, s0  }
0xc4: {  	[sflag:s0] =	ssyncadd.remote.s32 $0x1  }
0xc5: {  	_ =	sfence.sel $0xFFFF  }
0xc6: {  	[dreg:$0x0] =	wrdreg $0xFFFFFFFF;
	(pc) =	sbr.abs _section_cstart, $3  }
0xc7: {  	[dreg:$0x1] =	wrdreg $0xFFFFFFFF  }
0xc8: {  	_ =	task.clear_ibuf [dreg:s8], $0x2FFFF;
	_ =	strace $0x9FFFFFFF  }
0xc9: {  	(tm) =	ssettm $0x7FFFFFFF  }
tec
execute0_lowered:
.L_overlay_start_1:
0x0: {  	(tag) =	ssettag $0x1  }
0x1: {  	s1 =	rddreg [dreg:$0x0]  }
0x2: {  	s4 =	rddreg [dreg:$0x1]  }
0x3: {  	s5 =	rddreg [dreg:$0x2];
	s3 =	srdreg.scid  }
0x4: {  	s0 =	rddreg [dreg:$0x3];
	s2 =	stileid.u32;
	s10 =	simm.s32 $0x1080  }
0x5: {  	s11 =	simm.s32 $0x1880;
	s12 =	simm.s32 $0x2080;
	s13 =	simm.s32 $0x2880  }
0x6: {  	s14 =	simm.s32 $0x3080;
	s15 =	simm.s32 $0x3880;
	s16 =	simm.s32 $0x4080  }
0x7: {  	s17 =	simm.s32 $0x4880;
	s18 =	simm.s32 $0x5080;
	s19 =	simm.s32 $0x5880  }
0x8: {  	s20 =	simm.s32 $0x6080;
	s21 =	simm.s32 $0x6880;
	s22 =	simm.s32 $0x7080  }
0x9: {  	s23 =	simm.s32 $0x7880;
	s24 =	simm.s32 $0x1;
	s6 =	sand.u32 $0x1, s3  }
0xa: {  	s3 =	simm.s32 $0x0;
	s7 =	sshll.u32 s2, $0x8;
	s8 =	sshll.u32 s6, $0x7  }
0xb: {  	[smem:$0x7FF] =	sst s3;
	s6 =	ssub.s32 $0x2, s6;
	s7 =	sor.u32 s8, s7  }
0xc: {  	_ =	strace $0x80000047;
	s9 =	sshrl.u32 s6, $0x1;
	s8 =	sshrl.u32 s7, $0x3  }
0xd: {  	v2 =	vlaneseq.u32;
	s6 =	ssub.s32 s6, s9;
	s7 =	sshll.u32 s7, $0x5;
	s9 =	simm.s32 $0x880  }
0xe: {  	vm0 =	vmmov $0xffff;
	v1 =	vshrl.u32 v2, $0x3;
	s4 =	sadd.s32 s8, s4;
	s5 =	sadd.s32 s5, s7;
	s6 =	smax.u32 s6, $0x1  }
0xf: {  	v0 =	vand.u32 $0x7, v2;
	v2 =	vor.u32 $0x8, v2;
	v1 =	vmul.u32 $0x8, v1;
	s7 =	simm.s32 $0x2;
	s8 =	simm.s32 $0x80;
	s4 =	sadd.s32 $0x1200, s4  }
.LBB2_1:
0x10: {  	[tilespmem:s3], [sflag:$0x2] =	stream.linear.gather [hbm4b:s4+s3], $0x80, $0x38;
	[tilespmem:$0x8080] =	vst v63  }
0x11: {  	_ =	swait.ge [sflag:s7], $0x80  }
0x12: {  	[sflag:s7] =	ssyncset.done $0x0  }
0x13: {  	[sflag:s7] =	ssyncadd.s32 $0xFFFFFF80  }
0x14: {  	v3 =	vld [tilespmem:$0x0];
	_ =	sdelay $0x4  }
0x15: {  	v4 =	vshll.u32 v3, $0x1  }
0x16: {  	v3 =	vand.u32 $0x7, v3;
	v4 =	vand.u32 $0xFFFFFFF0, v4  }
0x17: {  	v3 =	vor.u32 v3, v4  }
0x18: {  	v4 =	vperm.xlane v3, v0;
	_ =	sdelay $0x1  }
0x19: {  	v3 =	vperm.xlane v3, v2;
	v4 =	vadd.s32 v1, v4;
	_ =	sdelay $0x1  }
0x1a: {  	v3 =	vadd.s32 v1, v3;
	_ =	sdelay $0x2  }
0x1b: {  	[tilespmem:s8], [sflag:$0x1] =	stream.indirect_vreg.gather [hbm4b:s1+s3], $0x80, v4, vm0, $0xb8;
	[tilespmem:$0x8080] =	vst v63  }
0x1c: {  	_ = 	snop  }
0x1d: {  	[tilespmem:s9], [sflag:$0x1] =	stream.indirect_vreg.gather [hbm4b:s1+s3], $0x80, v3, vm0, $0xb8;
	[tilespmem:$0x8080] =	vst v63  }
0x1e: {  	v3 =	vld [tilespmem:$0x10];
	_ =	sdelay $0x4  }
0x1f: {  	v57 =	vshll.u32 v3, $0x1  }
0x20: {  	v3 =	vand.u32 $0x7, v3;
	v4 =	vand.u32 $0xFFFFFFF0, v57  }
0x21: {  	v3 =	vor.u32 v3, v4  }
0x22: {  	v4 =	vperm.xlane v3, v0;
	_ =	sdelay $0x1  }
0x23: {  	v3 =	vperm.xlane v3, v2;
	v4 =	vadd.s32 v1, v4;
	_ =	sdelay $0x1  }
0x24: {  	v3 =	vadd.s32 v1, v3;
	_ =	sdelay $0x2  }
0x25: {  	[tilespmem:s10], [sflag:$0x1] =	stream.indirect_vreg.gather [hbm4b:s1+s3], $0x80, v4, vm0, $0xb8;
	[tilespmem:$0x8080] =	vst v63  }
0x26: {  	_ = 	snop  }
0x27: {  	[tilespmem:s11], [sflag:$0x1] =	stream.indirect_vreg.gather [hbm4b:s1+s3], $0x80, v3, vm0, $0xb8;
	[tilespmem:$0x8080] =	vst v63  }
0x28: {  	v3 =	vld [tilespmem:$0x20];
	_ =	sdelay $0x4  }
0x29: {  	v58 =	vshll.u32 v3, $0x1  }
0x2a: {  	v3 =	vand.u32 $0x7, v3;
	v4 =	vand.u32 $0xFFFFFFF0, v58  }
0x2b: {  	v3 =	vor.u32 v3, v4  }
0x2c: {  	v4 =	vperm.xlane v3, v0;
	_ =	sdelay $0x1  }
0x2d: {  	v3 =	vperm.xlane v3, v2;
	v4 =	vadd.s32 v1, v4;
	_ =	sdelay $0x1  }
0x2e: {  	v3 =	vadd.s32 v1, v3;
	_ =	sdelay $0x2  }
0x2f: {  	[tilespmem:s12], [sflag:$0x1] =	stream.indirect_vreg.gather [hbm4b:s1+s3], $0x80, v4, vm0, $0xb8;
	[tilespmem:$0x8080] =	vst v63  }
0x30: {  	_ = 	snop  }
0x31: {  	[tilespmem:s13], [sflag:$0x1] =	stream.indirect_vreg.gather [hbm4b:s1+s3], $0x80, v3, vm0, $0xb8;
	[tilespmem:$0x8080] =	vst v63  }
0x32: {  	v3 =	vld [tilespmem:$0x30];
	_ =	sdelay $0x4  }
0x33: {  	v59 =	vshll.u32 v3, $0x1  }
0x34: {  	v3 =	vand.u32 $0x7, v3;
	v4 =	vand.u32 $0xFFFFFFF0, v59  }
0x35: {  	v3 =	vor.u32 v3, v4  }
0x36: {  	v4 =	vperm.xlane v3, v0;
	_ =	sdelay $0x1  }
0x37: {  	v3 =	vperm.xlane v3, v2;
	v4 =	vadd.s32 v1, v4;
	_ =	sdelay $0x1  }
0x38: {  	v3 =	vadd.s32 v1, v3;
	_ =	sdelay $0x2  }
0x39: {  	[tilespmem:s14], [sflag:$0x1] =	stream.indirect_vreg.gather [hbm4b:s1+s3], $0x80, v4, vm0, $0xb8;
	[tilespmem:$0x8080] =	vst v63  }
0x3a: {  	_ = 	snop  }
0x3b: {  	[tilespmem:s15], [sflag:$0x1] =	stream.indirect_vreg.gather [hbm4b:s1+s3], $0x80, v3, vm0, $0xb8;
	[tilespmem:$0x8080] =	vst v63  }
0x3c: {  	v3 =	vld [tilespmem:$0x40];
	_ =	sdelay $0x4  }
0x3d: {  	v60 =	vshll.u32 v3, $0x1  }
0x3e: {  	v3 =	vand.u32 $0x7, v3;
	v4 =	vand.u32 $0xFFFFFFF0, v60  }
0x3f: {  	v3 =	vor.u32 v3, v4  }
0x40: {  	v4 =	vperm.xlane v3, v0;
	_ =	sdelay $0x1  }
0x41: {  	v3 =	vperm.xlane v3, v2;
	v4 =	vadd.s32 v1, v4;
	_ =	sdelay $0x1  }
0x42: {  	v3 =	vadd.s32 v1, v3;
	_ =	sdelay $0x2  }
0x43: {  	[tilespmem:s16], [sflag:$0x1] =	stream.indirect_vreg.gather [hbm4b:s1+s3], $0x80, v4, vm0, $0xb8;
	[tilespmem:$0x8080] =	vst v63  }
0x44: {  	_ = 	snop  }
0x45: {  	[tilespmem:s17], [sflag:$0x1] =	stream.indirect_vreg.gather [hbm4b:s1+s3], $0x80, v3, vm0, $0xb8;
	[tilespmem:$0x8080] =	vst v63  }
0x46: {  	v3 =	vld [tilespmem:$0x50];
	_ =	sdelay $0x4  }
0x47: {  	v61 =	vshll.u32 v3, $0x1  }
0x48: {  	v3 =	vand.u32 $0x7, v3;
	v4 =	vand.u32 $0xFFFFFFF0, v61  }
0x49: {  	v3 =	vor.u32 v3, v4  }
0x4a: {  	v4 =	vperm.xlane v3, v0;
	_ =	sdelay $0x1  }
0x4b: {  	v3 =	vperm.xlane v3, v2;
	v4 =	vadd.s32 v1, v4;
	_ =	sdelay $0x1  }
0x4c: {  	v3 =	vadd.s32 v1, v3;
	_ =	sdelay $0x2  }
0x4d: {  	[tilespmem:s18], [sflag:$0x1] =	stream.indirect_vreg.gather [hbm4b:s1+s3], $0x80, v4, vm0, $0xb8;
	[tilespmem:$0x8080] =	vst v63  }
0x4e: {  	_ = 	snop  }
0x4f: {  	[tilespmem:s19], [sflag:$0x1] =	stream.indirect_vreg.gather [hbm4b:s1+s3], $0x80, v3, vm0, $0xb8;
	[tilespmem:$0x8080] =	vst v63  }
0x50: {  	v3 =	vld [tilespmem:$0x60];
	_ =	sdelay $0x4  }
0x51: {  	v62 =	vshll.u32 v3, $0x1  }
0x52: {  	v3 =	vand.u32 $0x7, v3;
	v4 =	vand.u32 $0xFFFFFFF0, v62  }
0x53: {  	v3 =	vor.u32 v3, v4  }
0x54: {  	v4 =	vperm.xlane v3, v0;
	_ =	sdelay $0x1  }
0x55: {  	v3 =	vperm.xlane v3, v2;
	v4 =	vadd.s32 v1, v4;
	_ =	sdelay $0x1  }
0x56: {  	v3 =	vadd.s32 v1, v3;
	_ =	sdelay $0x2  }
0x57: {  	[tilespmem:s20], [sflag:$0x1] =	stream.indirect_vreg.gather [hbm4b:s1+s3], $0x80, v4, vm0, $0xb8;
	[tilespmem:$0x8080] =	vst v63  }
0x58: {  	_ = 	snop  }
0x59: {  	[tilespmem:s21], [sflag:$0x1] =	stream.indirect_vreg.gather [hbm4b:s1+s3], $0x80, v3, vm0, $0xb8;
	[tilespmem:$0x8080] =	vst v63  }
0x5a: {  	v3 =	vld [tilespmem:$0x70];
	_ =	sdelay $0x4  }
0x5b: {  	v63 =	vshll.u32 v3, $0x1  }
0x5c: {  	v3 =	vand.u32 $0x7, v3;
	v4 =	vand.u32 $0xFFFFFFF0, v63  }
0x5d: {  	v3 =	vor.u32 v3, v4  }
0x5e: {  	v4 =	vperm.xlane v3, v0;
	_ =	sdelay $0x1  }
0x5f: {  	v3 =	vperm.xlane v3, v2;
	v4 =	vadd.s32 v1, v4;
	_ =	sdelay $0x1  }
0x60: {  	v3 =	vadd.s32 v1, v3;
	_ =	sdelay $0x2  }
0x61: {  	[tilespmem:s22], [sflag:$0x1] =	stream.indirect_vreg.gather [hbm4b:s1+s3], $0x80, v4, vm0, $0xb8;
	[tilespmem:$0x8080] =	vst v63  }
0x62: {  	_ = 	snop  }
0x63: {  	[tilespmem:s23], [sflag:$0x1] =	stream.indirect_vreg.gather [hbm4b:s1+s3], $0x80, v3, vm0, $0xb8;
	[tilespmem:$0x8080] =	vst v63  }
0x64: {  	_ =	swait.ge [sflag:s24], $0x8000  }
0x65: {  	p0 =	sne.s32 s6, $0x1;
	[sflag:s24] =	ssyncset.done $0x0  }
.Ltmp0:
0x66: {  	[sflag:s24] =	ssyncadd.s32 $0xFFFF8000;
	(pc) =	sbr.rel @p0 .LBB2_1-.Ltmp0, $4  }
0x67: {  	[hbm4b:s5+s3] =	stream.linear.scatter [tilespmem:s8], [sflag:$0x2], $0x8000, $0x38;
	[tilespmem:$0x8080] =	vst v63  }
0x68: {  	_ =	swait.ge [sflag:s7], $0x8000  }
0x69: {  	[sflag:s7] =	ssyncset.done $0x0  }
0x6a: {  	s6 =	sadd.s32 $0xFFFFFFFF, s6;
	[sflag:s7] =	ssyncadd.s32 $0xFFFF8000  }
0x6b: {  	_ =	sfence.sel $0x180000  }
0x6c: {  	[bflag:$0x0] =	sbarrier.arrive $0xFFFF  }
0x6d: {  	p0 =	sne.s32 s2, $0x0;
	_ =	strace $0x90000047  }
0x6e: {  	s0 =	sadd.s32 @!p0 $0x100000, s0;
	[bflag:$0x2] =	sbarrier.arrive $0xFFFF  }
0x6f: {  	[sflag:s0] =	ssyncadd.tile.s32 @!p0 $0x1;
	_ =	shalt  }
.Lfunc_end2:
_tile_overlayer_lowered:
.L_overlay_start_2:
0x70: {  	(tag) =	ssettag $0x2  }
0x71: {  	s0 =	rddreg [dreg:$0x0];
	s2 =	stileid.u32  }
0x72: {  	s1 =	rddreg [dreg:$0x1];
	p0 =	sne.s32 s2, $0x0  }
0x73: {  	s3 =	rddreg [dreg:$0x2];
	[bflag:$0x3] =	sbarrier.arrive $0xFFFF;
	s2 =	simm.s32 @!p0 $0x1C02  }
0x74: {  	[timem:s3], [sflag:s2] =	dma.local @!p0 [hbm:s0], s1  }
0x75: {  	s0 =	simm.s32 @!p0 $0x2  }
0x76: {  	_ =	swait.ge @!p0 [sflag:s0], s1  }
0x77: {  	s1 =	ssub.s32 @!p0 $0x0, s1;
	[sflag:s0] =	ssyncset.done @!p0 $0x0  }
0x78: {  	[sflag:s0] =	ssyncadd.s32 @!p0 s1  }
0x79: {  	[bflag:$0x3] =	sbarrier.arrive $0xFFFF  }
0x7a: {  	_ =	shalt  }

</sc_bundles>
